<compile_context>
chip_gen: v7x
topology: tpu7x:2x2x1
jax: 0.10.2.dev20260603
libtpu: 0.0.44.dev20260713+nightly
codegen_flags: <defaults>
</compile_context>

<pallas_src>
import functools

import jax
import jax.numpy as jnp
from jax import lax
from jax.experimental import pallas as pl
from jax.experimental.pallas import tpu as pltpu
from jax.experimental.pallas import tpu_sc as plsc

N_CODES_HALF = 1024
D = 64
K = 2 * N_CODES_HALF
T = 1024
GRID = 64
N_TOK = GRID * T
COMMITMENT_COST = 0.25

SC_CORES = 2
SC_SUBCORES = 16
NW = SC_CORES * SC_SUBCORES
B_PER_W = N_TOK // NW
CHUNK = 1024


def _tc_body(x_ref, codes2_ref, bias_ref, revk_ref, idx_ref, hist_ref,
             acc_ref):
    b = pl.program_id(0)

    @pl.when(b == 0)
    def _init():
        acc_ref[0, 0] = 0.0

    x = x_ref[0]
    xc2 = jnp.dot(codes2_ref[...], x, preferred_element_type=jnp.float32)
    d = bias_ref[...] - xc2
    dmin = jnp.min(d, axis=0, keepdims=True)
    eqf = (d == dmin).astype(jnp.float32)
    idxf = float(K) - jnp.max(revk_ref[...] * eqf, axis=0,
                              keepdims=True)
    idx_ref[0, 0, :] = idxf[0].astype(jnp.int32)
    hist_ref[0, 0, :] = lax.dot_general(
        jnp.ones((1, T), jnp.float32), eqf,
        (((1,), (1,)), ((), ())), preferred_element_type=jnp.float32)[0]
    xnorm = jnp.sum(x * x, axis=0, keepdims=True)
    acc_ref[0, 0] += jnp.sum(dmin + xnorm)


def _fin_body(hist_ref, acc_ref, loss_ref, perp_ref):
    loss_ref[0, 0] = ((1.0 + COMMITMENT_COST) / (N_TOK * D)) * acc_ref[0, 0]
    p = jnp.sum(hist_ref[:, 0, :], axis=0) * (1.0 / N_TOK)
    perp_ref[0, 0] = jnp.exp(-jnp.sum(p * jnp.log(p + 1e-10)))


@functools.lru_cache(maxsize=2)
def _sc_gather_fn(n_tok):
    mesh = plsc.VectorSubcoreMesh(core_axis_name="c", subcore_axis_name="s")
    b_per_w = n_tok // NW
    chunk = min(b_per_w, CHUNK)

    @functools.partial(
        pl.kernel,
        out_type=jax.ShapeDtypeStruct((n_tok, D), jnp.float32),
        mesh=mesh,
        scratch_types=[
            pltpu.VMEM((chunk,), jnp.int32),
            pltpu.VMEM((chunk, D), jnp.float32),
            pltpu.SemaphoreType.DMA,
        ],
        compiler_params=pltpu.CompilerParams(use_tc_tiling_on_sc=False),
    )
    def _sc_gather(codes_hbm, idx_hbm, out_hbm, idx_v, rows_v, sem):
        wid = lax.axis_index("s") * SC_CORES + lax.axis_index("c")
        base = wid * b_per_w
        for j in range(b_per_w // chunk):
            off = base + j * chunk
            pltpu.sync_copy(idx_hbm.at[pl.ds(off, chunk)], idx_v)
            pltpu.async_copy(codes_hbm.at[idx_v], rows_v, sem).wait()
            pltpu.sync_copy(rows_v, out_hbm.at[pl.ds(off, chunk)])

    return _sc_gather


def kernel(inputs, embed0, embed1, idx):
    codes = jnp.concatenate([embed0, embed1], axis=0)
    cnorm = jnp.sum(codes * codes, axis=1, keepdims=True)
    half = (jnp.arange(K, dtype=jnp.int32) >= N_CODES_HALF)[:, None]
    pen = jnp.where(half & (idx == 0), jnp.inf, 0.0).astype(jnp.float32)
    bias = cnorm + pen
    revk = (float(K) - jnp.arange(K, dtype=jnp.float32))[:, None]

    indices, hist, acc = pl.pallas_call(
        _tc_body,
        grid=(GRID,),
        in_specs=[
            pl.BlockSpec((1, D, T), lambda b: (b, 0, 0)),
            pl.BlockSpec((K, D), lambda b: (0, 0)),
            pl.BlockSpec((K, 1), lambda b: (0, 0)),
            pl.BlockSpec((K, 1), lambda b: (0, 0)),
        ],
        out_specs=[
            pl.BlockSpec((1, 1, T), lambda b: (b, 0, 0)),
            pl.BlockSpec((1, 1, K), lambda b: (b, 0, 0)),
            pl.BlockSpec(block_shape=(1, 1), index_map=lambda b: (0, 0),
                         memory_space=pltpu.SMEM),
        ],
        out_shape=[
            jax.ShapeDtypeStruct((GRID, 1, T), jnp.int32),
            jax.ShapeDtypeStruct((GRID, 1, K), jnp.float32),
            jax.ShapeDtypeStruct((1, 1), jnp.float32),
        ],
    )(inputs.reshape(GRID, D, T), 2.0 * codes, bias, revk)

    loss, perp = pl.pallas_call(
        _fin_body,
        in_specs=[
            pl.BlockSpec((GRID, 1, K), lambda: (0, 0, 0)),
            pl.BlockSpec(block_shape=(1, 1), index_map=lambda: (0, 0),
                         memory_space=pltpu.SMEM),
        ],
        out_specs=[
            pl.BlockSpec(block_shape=(1, 1), index_map=lambda: (0, 0),
                         memory_space=pltpu.SMEM),
            pl.BlockSpec(block_shape=(1, 1), index_map=lambda: (0, 0),
                         memory_space=pltpu.SMEM),
        ],
        out_shape=[
            jax.ShapeDtypeStruct((1, 1), jnp.float32),
            jax.ShapeDtypeStruct((1, 1), jnp.float32),
        ],
    )(hist, acc)

    quantized = _sc_gather_fn(N_TOK)(codes, indices.reshape(N_TOK))
    q = quantized.reshape(GRID, 32, 32, D).transpose(0, 3, 1, 2)
    return (q, loss[0, 0], perp[0, 0])

# --- scband reference (transcript-rebuilt; emitter-appended) ---
"""Pipeline reference for scband-uefl-9586367004963 (READ-ONLY COPY).

The authoritative reference and input builder live on the scoring server;
editing this copy changes nothing except your own understanding.
"""

import jax, jax.numpy as jnp
import numpy as np

NUM_EMBEDDINGS = 1024
EMBEDDING_DIM = 64
COMMITMENT_COST = 0.25


def setup_inputs(seed: int = 0) -> dict:
    key = jax.random.key(seed)
    k1, k2, k3 = jax.random.split(key, 3)
    inputs = jax.random.normal(k1, (64, 64, 32, 32), dtype=jnp.float32)
    embed0 = jax.random.normal(k2, (NUM_EMBEDDINGS, EMBEDDING_DIM), dtype=jnp.float32)
    embed1 = jax.random.normal(k3, (NUM_EMBEDDINGS, EMBEDDING_DIM), dtype=jnp.float32)
    return {"inputs": inputs, "embed0": embed0, "embed1": embed1, "idx": 1}


def reference(inputs, embed0, embed1, idx):
    # inputs: [B, C, H, W] with C == embedding_dim (matches torch extVQ.forward)
    x = jnp.transpose(inputs, (0, 2, 3, 1))  # BHWC, contiguous
    input_shape = x.shape
    flat_input = x.reshape(-1, EMBEDDING_DIM)
    codes = jnp.concatenate([embed0, embed1], axis=0)
    distances = (
        jnp.sum(flat_input ** 2, axis=1, keepdims=True)
        + jnp.sum(codes ** 2, axis=1)
        - 2.0 * jnp.matmul(flat_input, codes.T)
    )
    col_in_embed1 = jnp.arange(codes.shape[0]) >= NUM_EMBEDDINGS
    penalty = jnp.where(
        jnp.logical_and(col_in_embed1, idx == 0),
        jnp.inf,
        jnp.float32(0.0),
    )
    distances = distances + penalty
    encoding_indices = jnp.argmin(distances, axis=1)
    encodings = jax.nn.one_hot(encoding_indices, codes.shape[0], dtype=flat_input.dtype)
    quantized = jnp.matmul(encodings, codes).reshape(input_shape)
    e_latent_loss = jnp.mean((jax.lax.stop_gradient(quantized) - x) ** 2)
    q_latent_loss = jnp.mean((quantized - jax.lax.stop_gradient(x)) ** 2)
    loss = q_latent_loss + COMMITMENT_COST * e_latent_loss
    quantized_st = x + jax.lax.stop_gradient(quantized - x)
    avg_probs = jnp.mean(encodings, axis=0)
    perplexity = jnp.exp(-jnp.sum(avg_probs * jnp.log(avg_probs + 1e-10)))
    return (jnp.transpose(quantized_st, (0, 3, 1, 2)), loss, perplexity)

if __name__ == "__main__":
    import jax
    _d = setup_inputs()
    print(jax.jit(kernel)(*tuple(_d.values())))

</pallas_src>

<mosaic_0001>
#map = affine_map<(d0, d1) -> (0, 0)>
#map1 = affine_map<(d0, d1) -> (0)>
module attributes {stable_mosaic.version = 14 : i64} {
  func.func @_sc_gather(%arg0: i32, %arg1: i32, %arg2: memref<2048x64xf32, #tpu.memory_space<hbm>>, %arg3: memref<65536xi32, #tpu.memory_space<hbm>>, %arg4: memref<65536x64xf32, #tpu.memory_space<hbm>>, %arg5: memref<1024xi32, #tpu.memory_space<vmem>>, %arg6: memref<1024x64xf32, #tpu.memory_space<vmem>>, %arg7: memref<!tpu.dma_semaphore, #tpu.memory_space<semaphore_mem>>) attributes {dimension_semantics = [#tpu.dimension_semantics<core_parallel>, #tpu.dimension_semantics<subcore_parallel>], iteration_bounds = array<i64: 2, 16>, scalar_prefetch = 0 : i64, scratch_operands = 3 : i64, tpu.core_type = #tpu.core_type<sc_vector_subcore>, window_params = [{transform_indices = #map}, {transform_indices = #map1}, {transform_indices = #map}]} {
    %mul3A = arith.constant 2 : i32
    %mul3A_0 = arith.muli %arg1, %mul3A : i32
    %add3A = arith.addi %mul3A_0, %arg0 : i32
    %mul3A_1 = arith.constant 2048 : i32
    %mul3A_2 = arith.muli %add3A, %mul3A_1 : i32
    %add3A_3 = arith.constant 0 : i32
    %add3A_4 = arith.addi %mul3A_2, %add3A_3 : i32
    "tpu.region"() ({
      %run_scoped3A = tpu.sem_alloc : memref<!tpu.dma_semaphore, #tpu.memory_space<semaphore_mem>>
      %dma_start3A_17 = tpu.memref_slice %arg3[%add3A_4] : memref<65536xi32, #tpu.memory_space<hbm>> -> memref<1024xi32, #tpu.memory_space<hbm>>
      %dma_start3A_18 = tpu.memref_slice %arg3[%add3A_4] : memref<65536xi32, #tpu.memory_space<hbm>> -> memref<1024xi32, #tpu.memory_space<hbm>>
      tpu.enqueue_dma source(%dma_start3A_18 : memref<1024xi32, #tpu.memory_space<hbm>>) target(%arg5 : memref<1024xi32, #tpu.memory_space<vmem>>) target_semaphore(%run_scoped3A : memref<!tpu.dma_semaphore, #tpu.memory_space<semaphore_mem>>)
      %dma_wait3A_19 = tpu.memref_slice %arg3[%add3A_4] : memref<65536xi32, #tpu.memory_space<hbm>> -> memref<1024xi32, #tpu.memory_space<hbm>>
      %dma_wait3A_20 = tpu.memref_slice %arg3[%add3A_4] : memref<65536xi32, #tpu.memory_space<hbm>> -> memref<1024xi32, #tpu.memory_space<hbm>>
      tpu.wait_dma2 semaphore(%run_scoped3A : memref<!tpu.dma_semaphore, #tpu.memory_space<semaphore_mem>>) src(%dma_wait3A_20 : memref<1024xi32, #tpu.memory_space<hbm>>) dst(%arg5 : memref<1024xi32, #tpu.memory_space<vmem>>)
      tpu.yield
    }) : () -> ()
    %dma_start3A = arith.constant 0 : i32
    %dma_start3A_5 = arith.constant 0 : i32
    %dma_start3A_6 = tpu.memref_slice %arg2[%dma_start3A, %dma_start3A_5] : memref<2048x64xf32, #tpu.memory_space<hbm>> -> memref<2048x64xf32, #tpu.memory_space<hbm>>
    tpu.enqueue_indirect_dma source(%dma_start3A_6 : memref<2048x64xf32, #tpu.memory_space<hbm>>) target(%arg6 : memref<1024x64xf32, #tpu.memory_space<vmem>>) offsets(%arg5 : memref<1024xi32, #tpu.memory_space<vmem>>) semaphore(%arg7 : memref<!tpu.dma_semaphore, #tpu.memory_space<semaphore_mem>>)
    %dma_wait3A = arith.constant 0 : i32
    %dma_wait3A_7 = arith.constant 0 : i32
    %dma_wait3A_8 = tpu.memref_slice %arg2[%dma_wait3A, %dma_wait3A_7] : memref<2048x64xf32, #tpu.memory_space<hbm>> -> memref<2048x64xf32, #tpu.memory_space<hbm>>
    tpu.wait_indirect_dma semaphore(%arg7 : memref<!tpu.dma_semaphore, #tpu.memory_space<semaphore_mem>>) src(%dma_wait3A_8 : memref<2048x64xf32, #tpu.memory_space<hbm>>) dst(%arg6 : memref<1024x64xf32, #tpu.memory_space<vmem>>)
    "tpu.region"() ({
      %run_scoped3A = tpu.sem_alloc : memref<!tpu.dma_semaphore, #tpu.memory_space<semaphore_mem>>
      %dma_start3A_17 = arith.constant 0 : i32
      %dma_start3A_18 = tpu.memref_slice %arg4[%add3A_4, %dma_start3A_17] : memref<65536x64xf32, #tpu.memory_space<hbm>> -> memref<1024x64xf32, #tpu.memory_space<hbm>>
      %dma_start3A_19 = arith.constant 0 : i32
      %dma_start3A_20 = tpu.memref_slice %arg4[%add3A_4, %dma_start3A_19] : memref<65536x64xf32, #tpu.memory_space<hbm>> -> memref<1024x64xf32, #tpu.memory_space<hbm>>
      tpu.enqueue_dma source(%arg6 : memref<1024x64xf32, #tpu.memory_space<vmem>>) target(%dma_start3A_20 : memref<1024x64xf32, #tpu.memory_space<hbm>>) target_semaphore(%run_scoped3A : memref<!tpu.dma_semaphore, #tpu.memory_space<semaphore_mem>>)
      %dma_wait3A_21 = arith.constant 0 : i32
      %dma_wait3A_22 = tpu.memref_slice %arg4[%add3A_4, %dma_wait3A_21] : memref<65536x64xf32, #tpu.memory_space<hbm>> -> memref<1024x64xf32, #tpu.memory_space<hbm>>
      %dma_wait3A_23 = arith.constant 0 : i32
      %dma_wait3A_24 = tpu.memref_slice %arg4[%add3A_4, %dma_wait3A_23] : memref<65536x64xf32, #tpu.memory_space<hbm>> -> memref<1024x64xf32, #tpu.memory_space<hbm>>
      tpu.wait_dma2 semaphore(%run_scoped3A : memref<!tpu.dma_semaphore, #tpu.memory_space<semaphore_mem>>) src(%arg6 : memref<1024x64xf32, #tpu.memory_space<vmem>>) dst(%dma_wait3A_24 : memref<1024x64xf32, #tpu.memory_space<hbm>>)
      tpu.yield
    }) : () -> ()
    %add3A_9 = arith.constant 1024 : i32
    %add3A_10 = arith.addi %mul3A_2, %add3A_9 : i32
    "tpu.region"() ({
      %run_scoped3A = tpu.sem_alloc : memref<!tpu.dma_semaphore, #tpu.memory_space<semaphore_mem>>
      %dma_start3A_17 = tpu.memref_slice %arg3[%add3A_10] : memref<65536xi32, #tpu.memory_space<hbm>> -> memref<1024xi32, #tpu.memory_space<hbm>>
      %dma_start3A_18 = tpu.memref_slice %arg3[%add3A_10] : memref<65536xi32, #tpu.memory_space<hbm>> -> memref<1024xi32, #tpu.memory_space<hbm>>
      tpu.enqueue_dma source(%dma_start3A_18 : memref<1024xi32, #tpu.memory_space<hbm>>) target(%arg5 : memref<1024xi32, #tpu.memory_space<vmem>>) target_semaphore(%run_scoped3A : memref<!tpu.dma_semaphore, #tpu.memory_space<semaphore_mem>>)
      %dma_wait3A_19 = tpu.memref_slice %arg3[%add3A_10] : memref<65536xi32, #tpu.memory_space<hbm>> -> memref<1024xi32, #tpu.memory_space<hbm>>
      %dma_wait3A_20 = tpu.memref_slice %arg3[%add3A_10] : memref<65536xi32, #tpu.memory_space<hbm>> -> memref<1024xi32, #tpu.memory_space<hbm>>
      tpu.wait_dma2 semaphore(%run_scoped3A : memref<!tpu.dma_semaphore, #tpu.memory_space<semaphore_mem>>) src(%dma_wait3A_20 : memref<1024xi32, #tpu.memory_space<hbm>>) dst(%arg5 : memref<1024xi32, #tpu.memory_space<vmem>>)
      tpu.yield
    }) : () -> ()
    %dma_start3A_11 = arith.constant 0 : i32
    %dma_start3A_12 = arith.constant 0 : i32
    %dma_start3A_13 = tpu.memref_slice %arg2[%dma_start3A_11, %dma_start3A_12] : memref<2048x64xf32, #tpu.memory_space<hbm>> -> memref<2048x64xf32, #tpu.memory_space<hbm>>
    tpu.enqueue_indirect_dma source(%dma_start3A_13 : memref<2048x64xf32, #tpu.memory_space<hbm>>) target(%arg6 : memref<1024x64xf32, #tpu.memory_space<vmem>>) offsets(%arg5 : memref<1024xi32, #tpu.memory_space<vmem>>) semaphore(%arg7 : memref<!tpu.dma_semaphore, #tpu.memory_space<semaphore_mem>>)
    %dma_wait3A_14 = arith.constant 0 : i32
    %dma_wait3A_15 = arith.constant 0 : i32
    %dma_wait3A_16 = tpu.memref_slice %arg2[%dma_wait3A_14, %dma_wait3A_15] : memref<2048x64xf32, #tpu.memory_space<hbm>> -> memref<2048x64xf32, #tpu.memory_space<hbm>>
    tpu.wait_indirect_dma semaphore(%arg7 : memref<!tpu.dma_semaphore, #tpu.memory_space<semaphore_mem>>) src(%dma_wait3A_16 : memref<2048x64xf32, #tpu.memory_space<hbm>>) dst(%arg6 : memref<1024x64xf32, #tpu.memory_space<vmem>>)
    "tpu.region"() ({
      %run_scoped3A = tpu.sem_alloc : memref<!tpu.dma_semaphore, #tpu.memory_space<semaphore_mem>>
      %dma_start3A_17 = arith.constant 0 : i32
      %dma_start3A_18 = tpu.memref_slice %arg4[%add3A_10, %dma_start3A_17] : memref<65536x64xf32, #tpu.memory_space<hbm>> -> memref<1024x64xf32, #tpu.memory_space<hbm>>
      %dma_start3A_19 = arith.constant 0 : i32
      %dma_start3A_20 = tpu.memref_slice %arg4[%add3A_10, %dma_start3A_19] : memref<65536x64xf32, #tpu.memory_space<hbm>> -> memref<1024x64xf32, #tpu.memory_space<hbm>>
      tpu.enqueue_dma source(%arg6 : memref<1024x64xf32, #tpu.memory_space<vmem>>) target(%dma_start3A_20 : memref<1024x64xf32, #tpu.memory_space<hbm>>) target_semaphore(%run_scoped3A : memref<!tpu.dma_semaphore, #tpu.memory_space<semaphore_mem>>)
      %dma_wait3A_21 = arith.constant 0 : i32
      %dma_wait3A_22 = tpu.memref_slice %arg4[%add3A_10, %dma_wait3A_21] : memref<65536x64xf32, #tpu.memory_space<hbm>> -> memref<1024x64xf32, #tpu.memory_space<hbm>>
      %dma_wait3A_23 = arith.constant 0 : i32
      %dma_wait3A_24 = tpu.memref_slice %arg4[%add3A_10, %dma_wait3A_23] : memref<65536x64xf32, #tpu.memory_space<hbm>> -> memref<1024x64xf32, #tpu.memory_space<hbm>>
      tpu.wait_dma2 semaphore(%run_scoped3A : memref<!tpu.dma_semaphore, #tpu.memory_space<semaphore_mem>>) src(%arg6 : memref<1024x64xf32, #tpu.memory_space<vmem>>) dst(%dma_wait3A_24 : memref<1024x64xf32, #tpu.memory_space<hbm>>)
      tpu.yield
    }) : () -> ()
    return
  }
}

module attributes {stable_mosaic.version = 14 : i64} {
  func.func @_tc_body(%arg0: i32, %arg1: memref<1x64x1024xf32, #tpu.memory_space<vmem>>, %arg2: memref<2048x64xf32, #tpu.memory_space<vmem>>, %arg3: memref<2048x1xf32, #tpu.memory_space<vmem>>, %arg4: memref<2048x1xf32, #tpu.memory_space<vmem>>, %arg5: memref<1x1x1024xi32, #tpu.memory_space<vmem>>, %arg6: memref<1x1x2048xf32, #tpu.memory_space<vmem>>, %arg7: memref<1x1xf32, #tpu.memory_space<smem>>) attributes {dimension_semantics = [#tpu.dimension_semantics<arbitrary>], iteration_bounds = array<i64: 64>, scalar_prefetch = 0 : i64, scratch_operands = 0 : i64, tpu.core_type = #tpu.core_type<tc>, window_params = [{transform_indices = @transform_0, window_bounds = array<i64: 1, 64, 1024>}, {pipeline_mode = #tpu.pipeline_mode<synchronous>, transform_indices = @transform_1, window_bounds = array<i64: 2048, 64>}, {pipeline_mode = #tpu.pipeline_mode<synchronous>, transform_indices = @transform_2, window_bounds = array<i64: 2048, 1>}, {pipeline_mode = #tpu.pipeline_mode<synchronous>, transform_indices = @transform_3, window_bounds = array<i64: 2048, 1>}, {transform_indices = @transform_4, window_bounds = array<i64: 1, 1, 1024>}, {transform_indices = @transform_5, window_bounds = array<i64: 1, 1, 2048>}, {transform_indices = @transform_6, window_bounds = array<i64: 1, 1>}]} {
    %eq3A = arith.constant 0 : i32
    %eq3A_0 = arith.cmpi eq, %arg0, %eq3A : i32
    %convert_element_type3A = arith.extui %eq3A_0 : i1 to i32
    %cond3A = arith.constant 0 : i32
    %cond3A_1 = arith.cmpi ne, %convert_element_type3A, %cond3A : i32
    scf.if %cond3A_1 {
      %swap3A_60 = arith.constant 0.000000e+00 : f32
      %swap3A_61 = arith.constant 0 : index
      %swap3A_62 = arith.constant 0 : index
      %swap3A_63 = memref.load %arg7[%swap3A_61, %swap3A_62] : memref<1x1xf32, #tpu.memory_space<smem>>
      memref.store %swap3A_60, %arg7[%swap3A_61, %swap3A_62] : memref<1x1xf32, #tpu.memory_space<smem>>
    } else {
    }
    %get3A = arith.constant 0 : index
    %get3A_2 = arith.constant 0 : index
    %get3A_3 = arith.constant 0 : index
    %get3A_4 = vector.load %arg1[%get3A, %get3A_2, %get3A_3] : memref<1x64x1024xf32, #tpu.memory_space<vmem>>, vector<1x64x1024xf32>
    %get3A_5 = vector.shape_cast %get3A_4 : vector<1x64x1024xf32> to vector<64x1024xf32>
    %get3A_6 = arith.constant 0 : index
    %get3A_7 = arith.constant 0 : index
    %get3A_8 = vector.load %arg2[%get3A_6, %get3A_7] : memref<2048x64xf32, #tpu.memory_space<vmem>>, vector<2048x64xf32>
    %dot_general3A = arith.constant dense<0.000000e+00> : vector<2048x1024xf32>
    %dot_general3A_9 = tpu.matmul %get3A_8, %get3A_5, %dot_general3A {dimension_numbers = #tpu.dot_dimension_numbers<[1], [0], [0], [1], [0, 0, 1, 1], [], []>, transpose_lhs_hint = false} : vector<2048x64xf32>, vector<64x1024xf32>, vector<2048x1024xf32> -> vector<2048x1024xf32>
    %get3A_10 = arith.constant 0 : index
    %get3A_11 = arith.constant 0 : index
    %get3A_12 = vector.load %arg3[%get3A_10, %get3A_11] : memref<2048x1xf32, #tpu.memory_space<vmem>>, vector<2048x1xf32>
    %sub3A = vector.broadcast %get3A_12 : vector<2048x1xf32> to vector<2048x1024xf32>
    %sub3A_13 = arith.subf %sub3A, %dot_general3A_9 : vector<2048x1024xf32>
    %reduce_min3A = arith.constant dense<0x7F800000> : vector<1024xf32>
    %reduce_min3A_14 = vector.multi_reduction <minimumf>, %sub3A_13, %reduce_min3A [0] : vector<2048x1024xf32> to vector<1024xf32>
    %broadcast_in_dim3A = vector.shape_cast %reduce_min3A_14 : vector<1024xf32> to vector<1x1024xf32>
    %eq3A_15 = vector.broadcast %broadcast_in_dim3A : vector<1x1024xf32> to vector<2048x1024xf32>
    %eq3A_16 = arith.cmpf oeq, %sub3A_13, %eq3A_15 : vector<2048x1024xf32>
    %convert_element_type3A_17 = arith.extui %eq3A_16 : vector<2048x1024xi1> to vector<2048x1024xi32>
    %convert_element_type3A_18 = arith.sitofp %convert_element_type3A_17 : vector<2048x1024xi32> to vector<2048x1024xf32>
    %get3A_19 = arith.constant 0 : index
    %get3A_20 = arith.constant 0 : index
    %get3A_21 = vector.load %arg4[%get3A_19, %get3A_20] : memref<2048x1xf32, #tpu.memory_space<vmem>>, vector<2048x1xf32>
    %mul3A = vector.broadcast %get3A_21 : vector<2048x1xf32> to vector<2048x1024xf32>
    %mul3A_22 = arith.mulf %mul3A, %convert_element_type3A_18 : vector<2048x1024xf32>
    %reduce_max3A = arith.constant dense<0xFF800000> : vector<1024xf32>
    %reduce_max3A_23 = vector.multi_reduction <maximumf>, %mul3A_22, %reduce_max3A [0] : vector<2048x1024xf32> to vector<1024xf32>
    %broadcast_in_dim3A_24 = vector.shape_cast %reduce_max3A_23 : vector<1024xf32> to vector<1x1024xf32>
    %sub3A_25 = arith.constant 2.048000e+03 : f32
    %sub3A_26 = vector.broadcast %sub3A_25 : f32 to vector<1x1024xf32>
    %sub3A_27 = arith.subf %sub3A_26, %broadcast_in_dim3A_24 : vector<1x1024xf32>
    %squeeze3A = vector.shape_cast %sub3A_27 : vector<1x1024xf32> to vector<1024xf32>
    %convert_element_type3A_28 = arith.fptosi %squeeze3A : vector<1024xf32> to vector<1024xi32>
    %swap3A = arith.constant 0 : index
    %swap3A_29 = arith.constant 0 : index
    %swap3A_30 = arith.constant 0 : index
    %swap3A_31 = vector.load %arg5[%swap3A, %swap3A_29, %swap3A_30] : memref<1x1x1024xi32, #tpu.memory_space<vmem>>, vector<1x1x1024xi32>
    %swap3A_32 = vector.shape_cast %swap3A_31 : vector<1x1x1024xi32> to vector<1024xi32>
    %swap3A_33 = vector.shape_cast %convert_element_type3A_28 : vector<1024xi32> to vector<1x1x1024xi32>
    tpu.vector_store %arg5[%swap3A, %swap3A_29, %swap3A_30], %swap3A_33 {strides = array<i32>} : memref<1x1x1024xi32, #tpu.memory_space<vmem>>, vector<1x1x1024xi32>,
    %broadcast_in_dim3A_34 = arith.constant 1.000000e+00 : f32
    %broadcast_in_dim3A_35 = vector.broadcast %broadcast_in_dim3A_34 : f32 to vector<1x1024xf32>
    %dot_general3A_36 = arith.constant dense<0.000000e+00> : vector<1x2048xf32>
    %dot_general3A_37 = tpu.matmul %broadcast_in_dim3A_35, %convert_element_type3A_18, %dot_general3A_36 {dimension_numbers = #tpu.dot_dimension_numbers<[1], [1], [0], [0], [0, 0, 1, 0], [], []>, transpose_lhs_hint = false} : vector<1x1024xf32>, vector<2048x1024xf32>, vector<1x2048xf32> -> vector<1x2048xf32>
    %squeeze3A_38 = vector.shape_cast %dot_general3A_37 : vector<1x2048xf32> to vector<2048xf32>
    %swap3A_39 = arith.constant 0 : index
    %swap3A_40 = arith.constant 0 : index
    %swap3A_41 = arith.constant 0 : index
    %swap3A_42 = vector.load %arg6[%swap3A_39, %swap3A_40, %swap3A_41] : memref<1x1x2048xf32, #tpu.memory_space<vmem>>, vector<1x1x2048xf32>
    %swap3A_43 = vector.shape_cast %swap3A_42 : vector<1x1x2048xf32> to vector<2048xf32>
    %swap3A_44 = vector.shape_cast %squeeze3A_38 : vector<2048xf32> to vector<1x1x2048xf32>
    tpu.vector_store %arg6[%swap3A_39, %swap3A_40, %swap3A_41], %swap3A_44 {strides = array<i32>} : memref<1x1x2048xf32, #tpu.memory_space<vmem>>, vector<1x1x2048xf32>,
    %mul3A_45 = arith.mulf %get3A_5, %get3A_5 : vector<64x1024xf32>
    %reduce_sum3A = arith.constant dense<0.000000e+00> : vector<1024xf32>
    %reduce_sum3A_46 = vector.multi_reduction <add>, %mul3A_45, %reduce_sum3A [0] : vector<64x1024xf32> to vector<1024xf32>
    %broadcast_in_dim3A_47 = vector.shape_cast %reduce_sum3A_46 : vector<1024xf32> to vector<1x1024xf32>
    %get3A_48 = arith.constant 0 : index
    %get3A_49 = arith.constant 0 : index
    %get3A_50 = memref.load %arg7[%get3A_48, %get3A_49] : memref<1x1xf32, #tpu.memory_space<smem>>
    %add3A = arith.addf %broadcast_in_dim3A, %broadcast_in_dim3A_47 : vector<1x1024xf32>
    %reduce_sum3A_51 = vector.shape_cast %add3A : vector<1x1024xf32> to vector<1x1x1024xf32>
    %reduce_sum3A_52 = arith.constant dense<0.000000e+00> : vector<1xf32>
    %reduce_sum3A_53 = vector.multi_reduction <add>, %reduce_sum3A_51, %reduce_sum3A_52 [1, 2] : vector<1x1x1024xf32> to vector<1xf32>
    %reduce_sum3A_54 = vector.shape_cast %reduce_sum3A_53 : vector<1xf32> to vector<1x1x1xf32>
    %reduce_sum3A_55 = vector.extract %reduce_sum3A_54[0, 0, 0] : f32 from vector<1x1x1xf32>
    %add3A_56 = arith.addf %get3A_50, %reduce_sum3A_55 : f32
    %swap3A_57 = arith.constant 0 : index
    %swap3A_58 = arith.constant 0 : index
    %swap3A_59 = memref.load %arg7[%swap3A_57, %swap3A_58] : memref<1x1xf32, #tpu.memory_space<smem>>
    memref.store %add3A_56, %arg7[%swap3A_57, %swap3A_58] : memref<1x1xf32, #tpu.memory_space<smem>>
    return
  }
  func.func @transform_0(%arg0: i32) -> (i32, i32, i32) {
    %c0_i32 = arith.constant 0 : i32
    %c0_i32_0 = arith.constant 0 : i32
    %c0_i32_1 = arith.constant 0 : i32
    return %arg0, %c0_i32, %c0_i32_0 : i32, i32, i32
  }
  func.func @transform_1(%arg0: i32) -> (i32, i32) {
    %c0_i32 = arith.constant 0 : i32
    %c0_i32_0 = arith.constant 0 : i32
    %c0_i32_1 = arith.constant 0 : i32
    return %c0_i32, %c0_i32_0 : i32, i32
  }
  func.func @transform_2(%arg0: i32) -> (i32, i32) {
    %c0_i32 = arith.constant 0 : i32
    %c0_i32_0 = arith.constant 0 : i32
    %c0_i32_1 = arith.constant 0 : i32
    return %c0_i32, %c0_i32_0 : i32, i32
  }
  func.func @transform_3(%arg0: i32) -> (i32, i32) {
    %c0_i32 = arith.constant 0 : i32
    %c0_i32_0 = arith.constant 0 : i32
    %c0_i32_1 = arith.constant 0 : i32
    return %c0_i32, %c0_i32_0 : i32, i32
  }
  func.func @transform_4(%arg0: i32) -> (i32, i32, i32) {
    %c0_i32 = arith.constant 0 : i32
    %c0_i32_0 = arith.constant 0 : i32
    %c0_i32_1 = arith.constant 0 : i32
    return %arg0, %c0_i32, %c0_i32_0 : i32, i32, i32
  }
  func.func @transform_5(%arg0: i32) -> (i32, i32, i32) {
    %c0_i32 = arith.constant 0 : i32
    %c0_i32_0 = arith.constant 0 : i32
    %c0_i32_1 = arith.constant 0 : i32
    return %arg0, %c0_i32, %c0_i32_0 : i32, i32, i32
  }
  func.func @transform_6(%arg0: i32) -> (i32, i32) {
    %c0_i32 = arith.constant 0 : i32
    %c0_i32_0 = arith.constant 0 : i32
    %c0_i32_1 = arith.constant 0 : i32
    return %c0_i32, %c0_i32_0 : i32, i32
  }
}

module attributes {stable_mosaic.version = 14 : i64} {
  func.func @_fin_body(%arg0: memref<64x1x2048xf32, #tpu.memory_space<vmem>>, %arg1: memref<1x1xf32, #tpu.memory_space<smem>>, %arg2: memref<1x1xf32, #tpu.memory_space<smem>>, %arg3: memref<1x1xf32, #tpu.memory_space<smem>>) attributes {dimension_semantics = [], scalar_prefetch = 0 : i64, scratch_operands = 0 : i64, tpu.core_type = #tpu.core_type<tc>} {
    %get3A = arith.constant 0 : index
    %get3A_0 = arith.constant 0 : index
    %get3A_1 = memref.load %arg1[%get3A, %get3A_0] : memref<1x1xf32, #tpu.memory_space<smem>>
    %mul3A = arith.constant 2.98023224E-7 : f32
    %mul3A_2 = arith.mulf %mul3A, %get3A_1 : f32
    %swap3A = arith.constant 0 : index
    %swap3A_3 = arith.constant 0 : index
    %swap3A_4 = memref.load %arg2[%swap3A, %swap3A_3] : memref<1x1xf32, #tpu.memory_space<smem>>
    memref.store %mul3A_2, %arg2[%swap3A, %swap3A_3] : memref<1x1xf32, #tpu.memory_space<smem>>
    %get3A_5 = arith.constant 0 : index
    %get3A_6 = arith.constant 0 : index
    %get3A_7 = arith.constant 0 : index
    %get3A_8 = vector.load %arg0[%get3A_5, %get3A_6, %get3A_7] : memref<64x1x2048xf32, #tpu.memory_space<vmem>>, vector<64x1x2048xf32>
    %get3A_9 = vector.shape_cast %get3A_8 : vector<64x1x2048xf32> to vector<64x2048xf32>
    %reduce_sum3A = arith.constant dense<0.000000e+00> : vector<2048xf32>
    %reduce_sum3A_10 = vector.multi_reduction <add>, %get3A_9, %reduce_sum3A [0] : vector<64x2048xf32> to vector<2048xf32>
    %mul3A_11 = arith.constant 1.52587891E-5 : f32
    %mul3A_12 = vector.broadcast %mul3A_11 : f32 to vector<2048xf32>
    %mul3A_13 = arith.mulf %reduce_sum3A_10, %mul3A_12 : vector<2048xf32>
    %add3A = arith.constant 1.000000e-10 : f32
    %add3A_14 = vector.broadcast %add3A : f32 to vector<2048xf32>
    %add3A_15 = arith.addf %mul3A_13, %add3A_14 : vector<2048xf32>
    %log3A = math.log %add3A_15 : vector<2048xf32>
    %mul3A_16 = arith.mulf %mul3A_13, %log3A : vector<2048xf32>
    %reduce_sum3A_17 = vector.shape_cast %mul3A_16 : vector<2048xf32> to vector<1x2048xf32>
    %reduce_sum3A_18 = arith.constant dense<0.000000e+00> : vector<1xf32>
    %reduce_sum3A_19 = vector.multi_reduction <add>, %reduce_sum3A_17, %reduce_sum3A_18 [1] : vector<1x2048xf32> to vector<1xf32>
    %reduce_sum3A_20 = vector.shape_cast %reduce_sum3A_19 : vector<1xf32> to vector<1x1xf32>
    %reduce_sum3A_21 = vector.extract %reduce_sum3A_20[0, 0] : f32 from vector<1x1xf32>
    %neg3A = arith.constant 0.000000e+00 : f32
    %neg3A_22 = arith.subf %neg3A, %reduce_sum3A_21 : f32
    %exp3A = math.exp %neg3A_22 : f32
    %swap3A_23 = arith.constant 0 : index
    %swap3A_24 = arith.constant 0 : index
    %swap3A_25 = memref.load %arg3[%swap3A_23, %swap3A_24] : memref<1x1xf32, #tpu.memory_space<smem>>
    memref.store %exp3A, %arg3[%swap3A_23, %swap3A_24] : memref<1x1xf32, #tpu.memory_space<smem>>
    return
  }
}

</mosaic_0001>

<sc_bundles>
// kernel: kernel.5.cloned.1.call-start
scs
__scs_entry_jumppad:
0x0: {  	(pc) =	sbr.rel $0x88, $3  }
0x1: {  	(tag) =	ssettag $0x0;
	lr =	simm.s32 $0x1  }
0x2: {  	[smem:$0x3F9D] =	sst lr;
	_ =	strace $0xD0000000  }
0x3: {  	_ = 	snop  }
0x4: {  	_ = 	snop  }
0x5: {  	_ = 	snop  }
0x6: {  	_ = 	snop  }
0x7: {  	_ = 	snop  }
__scs_overlays_trampoline_lowered:
0x8: {  	[smem:$0x3FAC] =	sst s0  }
0x9: {  	[smem:$0x3FAD] =	sst s1  }
0xa: {  	[smem:$0x3FAE] =	sst s2  }
0xb: {  	[smem:$0x3FAF] =	sst s3  }
0xc: {  	[smem:$0x3FB0] =	sst s4  }
0xd: {  	[smem:$0x3FB1] =	sst s5  }
0xe: {  	[smem:$0x3FB2] =	sst s6  }
0xf: {  	[smem:$0x3FB3] =	sst s7  }
0x10: {  	[smem:$0x3FB4] =	sst s8  }
0x11: {  	[smem:$0x3FB5] =	sst s9;
	s0 =	simm.s32 @!p0 $0x0  }
0x12: {  	s1 =	sld [smem:$0x3F9B];
	s0 =	simm.s32 @p0 $0x1  }
0x13: {  	[smem:$0x3FB6] =	sst s0;
	s0 =	simm.s32 @!p1 $0x0  }
0x14: {  	s2 =	sld [smem:$0x3F9A];
	s0 =	simm.s32 @p1 $0x1  }
0x15: {  	[smem:$0x3FB7] =	sst s0;
	s0 =	simm.s32 @!p2 $0x0  }
0x16: {  	s3 =	sld [smem:$0x3FDB];
	s0 =	simm.s32 @p2 $0x1  }
0x17: {  	s4 =	simm.s32 $0x1BF5;
	[smem:$0x3FB9] =	sst s0  }
0x18: {  	s0 =	sld [smem:$0x3F9C];
	_ =	swait.ge [sflag:s4], $0x0  }
0x19: {  	s7 =	sld [smem:$0x3F9D]  }
0x1a: {  	s8 =	sadd.s32 $0xFFFFE003, lr  }
0x1b: {  	s9 =	sadd.s32 $0xFFFFFEF7, lr;
	s5 =	simm.s32 $0xFFFFFFFF;
	p2 =	slt.u32 s8, $0xFFFFF086  }
0x1c: {  	p1 =	slt.u32 s9, $0xF7A;
	s5 =	simm.s32 @!p2 $0x0  }
0x1d: {  	s5 =	simm.s32 @p1 $0x1;
	p0 =	seq.s32 s7, s2  }
0x1e: {  	s7 =	smul.u32 @!p0 $0xF7A, s2;
	p2 =	seq.s32 @!p0 s5, $0x0  }
0x1f: {  	s9 =	smul.u32 $0xF7A, s1;
	s8 =	simm.s32 @!p0 $0x1BF5;
	p2 =	por !p2, p0  }
0x20: {  	[sflag:s8] =	ssyncset.s32 @!p0 $0xFFFFF086;
	s6 =	sadd.s32 @!p0 s3, s7;
	s7 =	simm.s32 @!p0 $0x108  }
0x21: {  	s3 =	sadd.s32 s3, s9;
	s6 =	sadd.s32 @!p0 $0x88, s6;
	s7 =	simm.s32 @p2 $0x1082  }
0x22: {  	[simem:s7], [sflag:s8] =	dma.local @!p0 [hbm:s6], $0xF7A  }
0x23: {  	s9 =	sor.u32 $0xD0000000, s2;
	s6 =	simm.s32 $0x108;
	_ =	swait.ge @!p0 [sflag:s8], $0x0  }
0x24: {  	s3 =	sadd.s32 $0x88, s3;
	s6 =	simm.s32 @!p1 $0x1082;
	[sflag:s4] =	ssyncset.s32 $0xFFFFF086  }
0x25: {  	[simem:s6], [sflag:s4] =	dma.local [hbm:s3], $0xF7A  }
0x26: {  	[smem:$0x3F9D] =	sst s1;
	(tag) =	ssettag s2;
	_ =	strace s9  }
0x27: {  	s1 =	sld [smem:$0x3FAD]  }
0x28: {  	s2 =	sld [smem:$0x3FAE]  }
0x29: {  	s4 =	sld [smem:$0x3FB0]  }
0x2a: {  	p0 =	seq.s32 s5, $0x0;
	s5 =	sld [smem:$0x3FB1]  }
0x2b: {  	s6 =	sld [smem:$0x3FB2]  }
0x2c: {  	s7 =	sld [smem:$0x3FB3]  }
0x2d: {  	s3 =	simm.s32 $0x108;
	s8 =	sld [smem:$0x3FB4]  }
0x2e: {  	s3 =	simm.s32 @!p0 $0x1082;
	s9 =	sld [smem:$0x3FB5]  }
0x2f: {  	lr =	sadd.s32 s0, s3;
	s0 =	sld [smem:$0x3FAC]  }
0x30: {  	s3 =	sld [smem:$0x3FAF]  }
0x31: {  	[smem:$0x3FB8] =	sst s10  }
0x32: {  	s10 =	sld [smem:$0x3FB6];
	_ =	sdelay $0x3  }
0x33: {  	p0 =	seq.s32 s10, $0x1;
	s10 =	sld [smem:$0x3FB8];
	_ =	sdelay $0x3  }
0x34: {  	[smem:$0x3FB8] =	sst s10  }
0x35: {  	s10 =	sld [smem:$0x3FB7];
	_ =	sdelay $0x3  }
0x36: {  	p1 =	seq.s32 s10, $0x1;
	s10 =	sld [smem:$0x3FB8];
	_ =	sdelay $0x3  }
0x37: {  	[smem:$0x3FB8] =	sst s10  }
0x38: {  	s10 =	sld [smem:$0x3FB9]  }
0x39: {  	_ = 	snop;
	(pc) =	sbr.ind lr, $3  }
0x3a: {  	_ = 	snop  }
0x3b: {  	_ = 	snop  }
0x3c: {  	p2 =	seq.s32 s10, $0x1;
	s10 =	sld [smem:$0x3FB8]  }
0x3d: {  	_ =	shalt  }
0x3e: {  	_ =	shalt  }
0x3f: {  	_ =	shalt  }
0x40: {  	_ =	shalt  }
0x41: {  	_ =	shalt  }
0x42: {  	_ =	shalt  }
0x43: {  	_ =	shalt  }
0x44: {  	_ =	shalt  }
0x45: {  	_ =	shalt  }
0x46: {  	_ =	shalt  }
0x47: {  	_ =	shalt  }
0x48: {  	_ =	shalt  }
0x49: {  	_ =	shalt  }
0x4a: {  	_ =	shalt  }
0x4b: {  	_ =	shalt  }
0x4c: {  	_ =	shalt  }
0x4d: {  	_ =	shalt  }
0x4e: {  	_ =	shalt  }
0x4f: {  	_ =	shalt  }
0x50: {  	_ =	shalt  }
0x51: {  	_ =	shalt  }
0x52: {  	_ =	shalt  }
0x53: {  	_ =	shalt  }
0x54: {  	_ =	shalt  }
0x55: {  	_ =	shalt  }
0x56: {  	_ =	shalt  }
0x57: {  	_ =	shalt  }
0x58: {  	_ =	shalt  }
0x59: {  	_ =	shalt  }
0x5a: {  	_ =	shalt  }
0x5b: {  	_ =	shalt  }
0x5c: {  	_ =	shalt  }
0x5d: {  	_ =	shalt  }
0x5e: {  	_ =	shalt  }
0x5f: {  	_ =	shalt  }
0x60: {  	_ =	shalt  }
0x61: {  	_ =	shalt  }
0x62: {  	_ =	shalt  }
0x63: {  	_ =	shalt  }
0x64: {  	_ =	shalt  }
0x65: {  	_ =	shalt  }
0x66: {  	_ =	shalt  }
0x67: {  	_ =	shalt  }
0x68: {  	_ =	shalt  }
0x69: {  	_ =	shalt  }
0x6a: {  	_ =	shalt  }
0x6b: {  	_ =	shalt  }
0x6c: {  	_ =	shalt  }
0x6d: {  	_ =	shalt  }
0x6e: {  	_ =	shalt  }
0x6f: {  	_ =	shalt  }
0x70: {  	_ =	shalt  }
0x71: {  	_ =	shalt  }
0x72: {  	_ =	shalt  }
0x73: {  	_ =	shalt  }
0x74: {  	_ =	shalt  }
0x75: {  	_ =	shalt  }
0x76: {  	_ =	shalt  }
0x77: {  	_ =	shalt  }
0x78: {  	_ =	shalt  }
0x79: {  	_ =	shalt  }
0x7a: {  	_ =	shalt  }
0x7b: {  	_ =	shalt  }
0x7c: {  	_ =	shalt  }
0x7d: {  	_ =	shalt  }
0x7e: {  	_ =	shalt  }
0x7f: {  	_ =	shalt  }
0x80: {  	_ =	shalt  }
0x81: {  	_ =	shalt  }
0x82: {  	_ =	shalt  }
0x83: {  	_ =	shalt  }
0x84: {  	_ =	shalt  }
0x85: {  	_ =	shalt  }
0x86: {  	_ =	shalt  }
0x87: {  	_ =	shalt  }
.Lfunc_end0:
.L_simem_size_0:
called_computation_lowered:
.L_overlay_start_0:
0x88: {  	s2 =	sld [smem:$0x3FD9]  }
0x89: {  	s3 =	sld [smem:$0x3FFE];
	_ =	sdelay $0x1  }
0x8a: {  	s1 =	srdreg.scid  }
0x8b: {  	s0 =	sand.u32 $0x1, s1  }
0x8c: {  	s14 =	sshll.u32 s0, $0xA;
	s2 =	sadd.s32 s3, s2  }
0x8d: {  	s2 =	sadd.s32 s2, s14  }
0x8e: {  	[smem:$0x3FC4] =	sst s2  }
0x8f: {  	_ = 	snop  }
0x90: {  	s2 =	sld [smem:$0x3FD0];
	_ =	sdelay $0x2  }
0x91: {  	s15 =	simm.s32 $0xA;
	s4 =	simm.s32 $0x10  }
0x92: {  	[smem:s4], [sflag:s15] =	dma.local [hbm:s2], $0x1  }
0x93: {  	_ =	swait.eq [sflag:s15], $0x1  }
0x94: {  	[sflag:s15] =	ssyncset.done $0x0  }
0x95: {  	[sflag:s15] =	ssyncadd.s32 $0xFFFFFFFF  }
0x96: {  	s16 =	sld [smem:$0x10];
	(tm) =	ssettm $0x1  }
0x97: {  	s17 =	sld [smem:$0x3FFB];
	_ =	sdelay $0x3  }
0x98: {  	_ =	strace s17  }
0x99: {  	s3 =	sld [smem:$0x3FFC];
	_ =	sdelay $0x3  }
0x9a: {  	_ =	strace s3  }
0x9b: {  	s3 =	sld [smem:$0x3FFD];
	_ =	sdelay $0x3  }
0x9c: {  	_ =	strace s3  }
0x9d: {  	_ =	strace $0x8FFFFFFF  }
0x9e: {  	s18 =	sld [smem:$0x3FDB];
	_ =	sdelay $0x1  }
0x9f: {  	s19 =	simm.s32 $_scs_section_size  }
0xa0: {  	s5 =	simm.s32 $_size__tile_overlayer_lowered;
	s6 =	simm.s32 $_tile_overlayer_lowered  }
0xa1: {  	s22 =	simm.s32 $0x1BFF;
	s21 =	sshll.u32 s6, $0x1;
	s3 =	sadd.s32 s19, s18  }
0xa2: {  	s7 =	simm.s32 $0x0;
	s20 =	sshll.u32 s5, $0x1;
	s5 =	sadd.s32 s21, s3  }
0xa3: {  	[timem:s7], [sflag:s22] =	dma.local [hbm:s5], s20  }
0xa4: {  	_ =	swait.ge [sflag:s22], s20  }
0xa5: {  	s4 =	ssub.s32 $0x0, s20;
	[sflag:s22] =	ssyncset.done $0x0  }
0xa6: {  	[sflag:s22] =	ssyncadd.s32 s4;
	_ =	sdelay $0x1  }
0xa7: {  	s23 =	simm.s32 $0x1B8B  }
0xa8: {  	_ =	swait.ge [sflag:s23], $0x1  }
0xa9: {  	[sflag:s23] =	ssyncset.done $0x0  }
0xaa: {  	s25 =	simm.s32 $0x1B8E;
	s24 =	sld [smem:$0x3FFE];
	[sflag:s23] =	ssyncadd.s32 $0xFFFFFFFF  }
0xab: {  	s26 =	simm.s32 $execute0_lowered;
	[smem:$0x3FD2] =	sst s25  }
0xac: {  	s5 =	sshll.u32 s26, $0x1;
	_ =	strace $0x80000046;
	[dreg:$0x1] =	wrdreg $0xFFFFFFFF  }
0xad: {  	s28 =	simm.s32 $_size_execute0_lowered;
	s3 =	sadd.s32 s3, s5;
	[dreg:$0x0] =	wrdreg $0x0  }
0xae: {  	s5 =	sshll.u32 s28, $0x1;
	[dreg:$0x2] =	wrdreg s3  }
0xaf: {  	[dreg:$0x3] =	wrdreg s5  }
0xb0: {  	[dreg:$0x4] =	wrdreg $0xC0  }
0xb1: {  	_ =	task [dreg:s7], $0x5FFFF  }
0xb2: {  	[dreg:$0x1] =	wrdreg $0xFFFFFFFF  }
0xb3: {  	[dreg:$0x0] =	wrdreg $0x60  }
0xb4: {  	[dreg:$0x2] =	wrdreg s16  }
0xb5: {  	[dreg:$0x3] =	wrdreg s24  }
0xb6: {  	[dreg:$0x4] =	wrdreg $0x9  }
0xb7: {  	_ =	task.clear_ibuf [dreg:s7], $0x5FFFF;
	_ =	strace $0x90000046  }
0xb8: {  	s29 =	simm.s32 $0x9;
	_ =	strace $0x80000048  }
0xb9: {  	_ =	swait.ge [sflag:s29], $0x1  }
0xba: {  	[sflag:s29] =	ssyncadd.s32 $0xFFFFFFFF  }
0xbb: {  	_ =	strace $0x90000048  }
0xbc: {  	_ =	sfence  }
0xbd: {  	s30 =	sld [smem:$0x0];
	_ =	sdelay $0x2  }
0xbe: {  	s31 =	sshll.u32 s1, $0xD;
	s1 =	sshrl.u32 s1, $0x2  }
0xbf: {  	s3 =	sand.u32 $0x4000, s31;
	s1 =	sadd.s32 s1, s30  }
0xc0: {  	s0 =	sor.u32 s3, s0;
	s1 =	sshll.u32 s1, $0x11  }
0xc1: {  	s0 =	sor.u32 s1, s0  }
0xc2: {  	s0 =	sadd.s32 $0x8F2B, s0  }
0xc3: {  	[sflag:s0] =	ssyncadd.remote.s32 $0x1  }
0xc4: {  	_ =	sfence.sel $0xFFFF  }
0xc5: {  	[dreg:$0x0] =	wrdreg $0xFFFFFFFF;
	(pc) =	sbr.abs _section_cstart, $3  }
0xc6: {  	[dreg:$0x1] =	wrdreg $0xFFFFFFFF  }
0xc7: {  	_ =	task.clear_ibuf [dreg:s7], $0x2FFFF;
	_ =	strace $0x9FFFFFFF  }
0xc8: {  	(tm) =	ssettm $0x7FFFFFFF  }
0xc9: {  	_ =	shalt  }
tec
execute0_lowered:
.L_overlay_start_1:
0x0: {  	(tag) =	ssettag $0x1  }
0x1: {  	s1 =	srdreg.scid  }
0x2: {  	s2 =	rddreg [dreg:$0x0];
	s0 =	stileid.u32;
	s10 =	sand.u32 $0x1, s1  }
0x3: {  	s8 =	rddreg [dreg:$0x1];
	s4 =	sshll.u32 s0, $0xC;
	s5 =	sshll.u32 s10, $0xB  }
0x4: {  	s3 =	simm.s32 $0x0;
	s1 =	rddreg [dreg:$0x2];
	s9 =	sor.u32 s5, s4  }
0x5: {  	[smem:$0x7FF] =	sst s3;
	s11 =	sadd.s32 $0xC00, s8;
	s4 =	sshrl.u32 s9, $0x3  }
0x6: {  	_ =	strace $0x80000047;
	s5 =	sadd.s32 s11, s4;
	s4 =	simm.s32 $0x2  }
0x7: {  	[tilespmem:s3], [sflag:$0x2] =	stream.linear.gather [hbm4b:s5+s3], $0x400, $0x38;
	[tilespmem:$0x10400] =	vst v63  }
0x8: {  	_ =	swait.ge [sflag:s4], $0x400  }
0x9: {  	[sflag:s4] =	ssyncset.done $0x0  }
0xa: {  	s6 =	simm.s32 $0x400;
	s7 =	simm.s32 $0x1;
	[sflag:s4] =	ssyncadd.s32 $0xFFFFFC00  }
0xb: {  	[tilespmem:s6], [sflag:$0x1] =	stream.indirect.gather [hbm4b:s2+s6], $0x40, s3, s6, $0xb8;
	[tilespmem:$0x10400] =	vst v63  }
0xc: {  	_ =	swait.ge [sflag:s7], $0x10000  }
0xd: {  	s12 =	sadd.s32 $0x2C00, s8;
	s29 =	sshll.u32 s9, $0x3;
	[sflag:s7] =	ssyncset.done $0x0  }
0xe: {  	s8 =	sadd.s32 s12, s29;
	[sflag:s7] =	ssyncadd.s32 $0xFFFF0000  }
0xf: {  	[hbm4b:s8+s3] =	stream.linear.scatter [tilespmem:s6], [sflag:$0x2], $0x10000, $0x38;
	[tilespmem:$0x10400] =	vst v63  }
0x10: {  	s13 =	sor.u32 $0x400, s9;
	_ =	swait.ge [sflag:s4], $0x10000  }
0x11: {  	s9 =	sshrl.u32 s13, $0x3;
	[sflag:s4] =	ssyncset.done $0x0  }
0x12: {  	s10 =	ssub.s32 $0x2, s10;
	s9 =	sadd.s32 s11, s9;
	[sflag:s4] =	ssyncadd.s32 $0xFFFF0000  }
0x13: {  	[tilespmem:s3], [sflag:$0x2] =	stream.linear.gather [hbm4b:s9+s3], $0x400, $0x38;
	[tilespmem:$0x10400] =	vst v63  }
0x14: {  	s30 =	sshrl.u32 s10, $0x1;
	_ =	swait.ge [sflag:s4], $0x400  }
0x15: {  	s11 =	ssub.s32 s10, s30;
	[sflag:s4] =	ssyncset.done $0x0  }
0x16: {  	s11 =	smax.u32 s11, $0x1;
	[sflag:s4] =	ssyncadd.s32 $0xFFFFFC00  }
0x17: {  	[tilespmem:s6], [sflag:$0x1] =	stream.indirect.gather [hbm4b:s2+s6], $0x40, s3, s6, $0xb8;
	[tilespmem:$0x10400] =	vst v63  }
0x18: {  	p0 =	sne.s32 s11, $0x1;
	_ =	swait.ge [sflag:s7], $0x10000  }
.Ltmp0:
0x19: {  	s31 =	sshll.u32 s13, $0x3;
	[sflag:s7] =	ssyncset.done $0x0;
	(pc) =	sbr.rel @!p0 .LBB2_2-.Ltmp0, $4  }
0x1a: {  	s10 =	sadd.s32 s12, s31;
	[sflag:s7] =	ssyncadd.s32 $0xFFFF0000  }
0x1b: {  	[hbm4b:s10+s3] =	stream.linear.scatter [tilespmem:s6], [sflag:$0x2], $0x10000, $0x38;
	[tilespmem:$0x10400] =	vst v63  }
0x1c: {  	_ =	swait.ge [sflag:s4], $0x10000  }
0x1d: {  	s11 =	sadd.s32 $0xFFFFFFFF, s11;
	[sflag:s4] =	ssyncset.done $0x0  }
.LBB2_1:
0x1e: {  	p0 =	sne.s32 s11, $0x1;
	s11 =	sadd.s32 $0xFFFFFFFF, s11;
	[sflag:s4] =	ssyncadd.s32 $0xFFFF0000  }
0x1f: {  	[tilespmem:s3], [sflag:$0x2] =	stream.linear.gather [hbm4b:s5+s3], $0x400, $0x38;
	[tilespmem:$0x10400] =	vst v63  }
0x20: {  	_ =	swait.ge [sflag:s4], $0x400  }
0x21: {  	[sflag:s4] =	ssyncset.done $0x0  }
0x22: {  	[sflag:s4] =	ssyncadd.s32 $0xFFFFFC00  }
0x23: {  	[tilespmem:s6], [sflag:$0x1] =	stream.indirect.gather [hbm4b:s2+s6], $0x40, s3, s6, $0xb8;
	[tilespmem:$0x10400] =	vst v63  }
0x24: {  	_ =	swait.ge [sflag:s7], $0x10000  }
0x25: {  	[sflag:s7] =	ssyncset.done $0x0  }
0x26: {  	[sflag:s7] =	ssyncadd.s32 $0xFFFF0000  }
0x27: {  	[hbm4b:s8+s3] =	stream.linear.scatter [tilespmem:s6], [sflag:$0x2], $0x10000, $0x38;
	[tilespmem:$0x10400] =	vst v63  }
0x28: {  	_ =	swait.ge [sflag:s4], $0x10000  }
0x29: {  	[sflag:s4] =	ssyncset.done $0x0  }
0x2a: {  	[sflag:s4] =	ssyncadd.s32 $0xFFFF0000  }
0x2b: {  	[tilespmem:s3], [sflag:$0x2] =	stream.linear.gather [hbm4b:s9+s3], $0x400, $0x38;
	[tilespmem:$0x10400] =	vst v63  }
0x2c: {  	_ =	swait.ge [sflag:s4], $0x400  }
0x2d: {  	[sflag:s4] =	ssyncset.done $0x0  }
0x2e: {  	[sflag:s4] =	ssyncadd.s32 $0xFFFFFC00  }
0x2f: {  	[tilespmem:s6], [sflag:$0x1] =	stream.indirect.gather [hbm4b:s2+s6], $0x40, s3, s6, $0xb8;
	[tilespmem:$0x10400] =	vst v63  }
0x30: {  	_ =	swait.ge [sflag:s7], $0x10000  }
.Ltmp1:
0x31: {  	[sflag:s7] =	ssyncset.done $0x0;
	(pc) =	sbr.rel @p0 .LBB2_1-.Ltmp1, $4  }
0x32: {  	[sflag:s7] =	ssyncadd.s32 $0xFFFF0000  }
0x33: {  	[hbm4b:s10+s3] =	stream.linear.scatter [tilespmem:s6], [sflag:$0x2], $0x10000, $0x38;
	[tilespmem:$0x10400] =	vst v63  }
0x34: {  	_ =	swait.ge [sflag:s4], $0x10000  }
0x35: {  	[sflag:s4] =	ssyncset.done $0x0  }
.LBB2_2:
0x36: {  	[sflag:s4] =	ssyncadd.s32 $0xFFFF0000  }
0x37: {  	_ =	sfence.sel $0x180000  }
0x38: {  	[bflag:$0x0] =	sbarrier.arrive $0xFFFF  }
0x39: {  	p0 =	sne.s32 s0, $0x0;
	_ =	strace $0x90000047  }
0x3a: {  	s0 =	sadd.s32 @!p0 $0x100000, s1;
	[bflag:$0x2] =	sbarrier.arrive $0xFFFF  }
0x3b: {  	[sflag:s0] =	ssyncadd.tile.s32 @!p0 $0x1;
	_ =	shalt  }
.Lfunc_end2:
_tile_overlayer_lowered:
.L_overlay_start_2:
0x3c: {  	(tag) =	ssettag $0x2  }
0x3d: {  	s0 =	rddreg [dreg:$0x0];
	s2 =	stileid.u32  }
0x3e: {  	s1 =	rddreg [dreg:$0x1];
	p0 =	sne.s32 s2, $0x0  }
0x3f: {  	s3 =	rddreg [dreg:$0x2];
	[bflag:$0x3] =	sbarrier.arrive $0xFFFF;
	s2 =	simm.s32 @!p0 $0x1C02  }
0x40: {  	[timem:s3], [sflag:s2] =	dma.local @!p0 [hbm:s0], s1  }
0x41: {  	s0 =	simm.s32 @!p0 $0x2  }
0x42: {  	_ =	swait.ge @!p0 [sflag:s0], s1  }
0x43: {  	s1 =	ssub.s32 @!p0 $0x0, s1;
	[sflag:s0] =	ssyncset.done @!p0 $0x0  }
0x44: {  	[sflag:s0] =	ssyncadd.s32 @!p0 s1  }
0x45: {  	[bflag:$0x3] =	sbarrier.arrive $0xFFFF  }
0x46: {  	_ =	shalt  }

</sc_bundles>
